<compile_context>
chip_gen: v7x
topology: tpu7x:2x2x1
jax: 0.10.2.dev20260603
libtpu: 0.0.44.dev20260713+nightly
codegen_flags: <defaults>
</compile_context>

<pallas_src>
import functools

import jax
import jax.numpy as jnp
from jax import lax
from jax.experimental import pallas as pl
from jax.experimental.pallas import tpu as pltpu
from jax.experimental.pallas import tpu_sc as plsc

D = 128
NC = 2
NS = 16
NW = NC * NS
A = 4096
S = 50
SP = 56
CHUNK = 128
N_CH = A * SP // (NW * CHUNK)
NBUF = 6

_mesh = plsc.VectorSubcoreMesh(core_axis_name="c", subcore_axis_name="s")


@functools.partial(
    pl.kernel,
    out_type=jax.ShapeDtypeStruct((A * SP, D), jnp.float32),
    mesh=_mesh,
    scratch_types=[
        pltpu.VMEM((N_CH, CHUNK), jnp.int32),
        pltpu.VMEM((NBUF, CHUNK, D), jnp.float32),
        pltpu.SemaphoreType.DMA,
        pltpu.SemaphoreType.DMA,
    ],
)
def _embed(idx_hbm, table_hbm, out_hbm, idx_v, rows_v, gsem, wsem):
    wid = lax.axis_index("s") * NC + lax.axis_index("c")
    base = wid * N_CH * CHUNK
    pltpu.sync_copy(idx_hbm.at[wid], idx_v)

    def gather(j, b):
        pltpu.async_copy(table_hbm.at[idx_v.at[j]], rows_v.at[b], gsem)

    def wb(j, b):
        pltpu.async_copy(
            rows_v.at[b], out_hbm.at[pl.ds(base + j * CHUNK, CHUNK)], wsem
        )

    def wait_gather(b):
        pltpu.make_async_copy(
            table_hbm.at[pl.ds(0, CHUNK)], rows_v.at[b], gsem
        ).wait()

    def wait_wb(b):
        pltpu.make_async_copy(
            rows_v.at[b], out_hbm.at[pl.ds(base, CHUNK)], wsem
        ).wait()

    for k in range(NBUF - 1):
        gather(k, k)

    @pl.loop(0, N_CH)
    def _(j):
        b = lax.rem(j, NBUF)
        wait_gather(b)
        wb(j, b)
        @pl.when(jnp.logical_and(j > 0, j < N_CH - (NBUF - 1)))
        def _():
            wait_wb(b)

        @pl.when(j < N_CH - (NBUF - 1))
        def _():
            gather(j + NBUF - 1, lax.rem(j + NBUF - 1, NBUF))

    for _k in range(NBUF):
        wait_wb(0)


def kernel(x, table):
    pad_idx = jnp.arange(A * (SP - S), dtype=jnp.int32).reshape(A, SP - S)
    idx = jnp.concatenate([x, pad_idx], axis=1).reshape(NW, N_CH, CHUNK)
    out = _embed(idx, table)
    out3 = out.reshape(A, SP, D)[:, :S, :]
    return jnp.where(x[:, :, None] >= 0, out3, 0.0)

# --- scband reference (transcript-rebuilt; emitter-appended) ---
"""Pipeline reference for scband-embeddings-63428077027332 (READ-ONLY COPY).

The authoritative reference and input builder live on the scoring server;
editing this copy changes nothing except your own understanding.
"""

import jax, jax.numpy as jnp
import numpy as np

N_TOKENS = 100000
D_MODEL = 128
PAD_IDX = 0


def setup_inputs(seed: int = 0) -> dict:
    key = jax.random.key(seed)
    k1, k2 = jax.random.split(key)
    x = jax.random.randint(k1, (4096, 50), 0, N_TOKENS, dtype=jnp.int32)
    table = jax.random.normal(k2, (N_TOKENS, D_MODEL), dtype=jnp.float32)
    # nn.Embedding with padding_idx initializes the pad row to zeros
    table = table.at[PAD_IDX].set(0.0)
    return {"x": x, "table": table}


def reference(x, table):
    # Embeddings.forward: self.embedding(x) -> gather rows of the table
    return jnp.take(table, x, axis=0)

if __name__ == "__main__":
    import jax
    _d = setup_inputs()
    print(jax.jit(kernel)(*tuple(_d.values())))

</pallas_src>

<mosaic_0001>
#map = affine_map<(d0, d1) -> (0, 0, 0)>
#map1 = affine_map<(d0, d1) -> (0, 0)>
module attributes {stable_mosaic.version = 14 : i64} {
  func.func @_embed(%arg0: i32, %arg1: i32, %arg2: memref<32x56x128xi32, #tpu.memory_space<hbm>>, %arg3: memref<100000x128xf32, #tpu.memory_space<hbm>>, %arg4: memref<229376x128xf32, #tpu.memory_space<hbm>>, %arg5: memref<56x128xi32, #tpu.memory_space<vmem>>, %arg6: memref<6x128x128xf32, #tpu.memory_space<vmem>>, %arg7: memref<!tpu.dma_semaphore, #tpu.memory_space<semaphore_mem>>, %arg8: memref<!tpu.dma_semaphore, #tpu.memory_space<semaphore_mem>>) attributes {dimension_semantics = [#tpu.dimension_semantics<core_parallel>, #tpu.dimension_semantics<subcore_parallel>], iteration_bounds = array<i64: 2, 16>, scalar_prefetch = 0 : i64, scratch_operands = 4 : i64, tpu.core_type = #tpu.core_type<sc_vector_subcore>, window_params = [{transform_indices = #map}, {transform_indices = #map1}, {transform_indices = #map1}]} {
    %mul3A = arith.constant 2 : i32
    %mul3A_0 = arith.muli %arg1, %mul3A : i32
    %add3A = arith.addi %mul3A_0, %arg0 : i32
    %mul3A_1 = arith.constant 56 : i32
    %mul3A_2 = arith.muli %add3A, %mul3A_1 : i32
    %mul3A_3 = arith.constant 128 : i32
    %mul3A_4 = arith.muli %mul3A_2, %mul3A_3 : i32
    "tpu.region"() ({
      %run_scoped3A = tpu.sem_alloc : memref<!tpu.dma_semaphore, #tpu.memory_space<semaphore_mem>>
      %dma_start3A_145 = arith.constant 0 : i32
      %dma_start3A_146 = arith.constant 0 : i32
      %dma_start3A_147 = tpu.memref_slice %arg2[%add3A, %dma_start3A_145, %dma_start3A_146] : memref<32x56x128xi32, #tpu.memory_space<hbm>> -> memref<1x56x128xi32, #tpu.memory_space<hbm>>
      %dma_start3A_148 = tpu.memref_squeeze %dma_start3A_147 : memref<1x56x128xi32, #tpu.memory_space<hbm>> -> memref<56x128xi32, #tpu.memory_space<hbm>>
      %dma_start3A_149 = arith.constant 0 : i32
      %dma_start3A_150 = arith.constant 0 : i32
      %dma_start3A_151 = tpu.memref_slice %arg2[%add3A, %dma_start3A_149, %dma_start3A_150] : memref<32x56x128xi32, #tpu.memory_space<hbm>> -> memref<1x56x128xi32, #tpu.memory_space<hbm>>
      %dma_start3A_152 = tpu.memref_squeeze %dma_start3A_151 : memref<1x56x128xi32, #tpu.memory_space<hbm>> -> memref<56x128xi32, #tpu.memory_space<hbm>>
      tpu.enqueue_dma source(%dma_start3A_152 : memref<56x128xi32, #tpu.memory_space<hbm>>) target(%arg5 : memref<56x128xi32, #tpu.memory_space<vmem>>) target_semaphore(%run_scoped3A : memref<!tpu.dma_semaphore, #tpu.memory_space<semaphore_mem>>)
      %dma_wait3A_153 = arith.constant 0 : i32
      %dma_wait3A_154 = arith.constant 0 : i32
      %dma_wait3A_155 = tpu.memref_slice %arg2[%add3A, %dma_wait3A_153, %dma_wait3A_154] : memref<32x56x128xi32, #tpu.memory_space<hbm>> -> memref<1x56x128xi32, #tpu.memory_space<hbm>>
      %dma_wait3A_156 = tpu.memref_squeeze %dma_wait3A_155 : memref<1x56x128xi32, #tpu.memory_space<hbm>> -> memref<56x128xi32, #tpu.memory_space<hbm>>
      %dma_wait3A_157 = arith.constant 0 : i32
      %dma_wait3A_158 = arith.constant 0 : i32
      %dma_wait3A_159 = tpu.memref_slice %arg2[%add3A, %dma_wait3A_157, %dma_wait3A_158] : memref<32x56x128xi32, #tpu.memory_space<hbm>> -> memref<1x56x128xi32, #tpu.memory_space<hbm>>
      %dma_wait3A_160 = tpu.memref_squeeze %dma_wait3A_159 : memref<1x56x128xi32, #tpu.memory_space<hbm>> -> memref<56x128xi32, #tpu.memory_space<hbm>>
      tpu.wait_dma2 semaphore(%run_scoped3A : memref<!tpu.dma_semaphore, #tpu.memory_space<semaphore_mem>>) src(%dma_wait3A_160 : memref<56x128xi32, #tpu.memory_space<hbm>>) dst(%arg5 : memref<56x128xi32, #tpu.memory_space<vmem>>)
      tpu.yield
    }) : () -> ()
    %dma_start3A = arith.constant 0 : i32
    %dma_start3A_5 = arith.constant 0 : i32
    %dma_start3A_6 = arith.constant 0 : i32
    %dma_start3A_7 = arith.constant 0 : i32
    %dma_start3A_8 = tpu.memref_slice %arg6[%dma_start3A_5, %dma_start3A_6, %dma_start3A_7] : memref<6x128x128xf32, #tpu.memory_space<vmem>> -> memref<1x128x128xf32, #tpu.memory_space<vmem>>
    %dma_start3A_9 = tpu.memref_squeeze %dma_start3A_8 : memref<1x128x128xf32, #tpu.memory_space<vmem>> -> memref<128x128xf32, #tpu.memory_space<vmem>>
    %dma_start3A_10 = arith.constant 0 : i32
    %dma_start3A_11 = tpu.memref_slice %arg5[%dma_start3A, %dma_start3A_10] : memref<56x128xi32, #tpu.memory_space<vmem>> -> memref<1x128xi32, #tpu.memory_space<vmem>>
    %dma_start3A_12 = tpu.memref_squeeze %dma_start3A_11 : memref<1x128xi32, #tpu.memory_space<vmem>> -> memref<128xi32, #tpu.memory_space<vmem>>
    %dma_start3A_13 = arith.constant 0 : i32
    %dma_start3A_14 = arith.constant 0 : i32
    %dma_start3A_15 = tpu.memref_slice %arg3[%dma_start3A_13, %dma_start3A_14] : memref<100000x128xf32, #tpu.memory_space<hbm>> -> memref<100000x128xf32, #tpu.memory_space<hbm>>
    tpu.enqueue_indirect_dma source(%dma_start3A_15 : memref<100000x128xf32, #tpu.memory_space<hbm>>) target(%dma_start3A_9 : memref<128x128xf32, #tpu.memory_space<vmem>>) offsets(%dma_start3A_12 : memref<128xi32, #tpu.memory_space<vmem>>) semaphore(%arg7 : memref<!tpu.dma_semaphore, #tpu.memory_space<semaphore_mem>>)
    %dma_start3A_16 = arith.constant 1 : i32
    %dma_start3A_17 = arith.constant 1 : i32
    %dma_start3A_18 = arith.constant 0 : i32
    %dma_start3A_19 = arith.constant 0 : i32
    %dma_start3A_20 = tpu.memref_slice %arg6[%dma_start3A_17, %dma_start3A_18, %dma_start3A_19] : memref<6x128x128xf32, #tpu.memory_space<vmem>> -> memref<1x128x128xf32, #tpu.memory_space<vmem>>
    %dma_start3A_21 = tpu.memref_squeeze %dma_start3A_20 : memref<1x128x128xf32, #tpu.memory_space<vmem>> -> memref<128x128xf32, #tpu.memory_space<vmem>>
    %dma_start3A_22 = arith.constant 0 : i32
    %dma_start3A_23 = tpu.memref_slice %arg5[%dma_start3A_16, %dma_start3A_22] : memref<56x128xi32, #tpu.memory_space<vmem>> -> memref<1x128xi32, #tpu.memory_space<vmem>>
    %dma_start3A_24 = tpu.memref_squeeze %dma_start3A_23 : memref<1x128xi32, #tpu.memory_space<vmem>> -> memref<128xi32, #tpu.memory_space<vmem>>
    %dma_start3A_25 = arith.constant 0 : i32
    %dma_start3A_26 = arith.constant 0 : i32
    %dma_start3A_27 = tpu.memref_slice %arg3[%dma_start3A_25, %dma_start3A_26] : memref<100000x128xf32, #tpu.memory_space<hbm>> -> memref<100000x128xf32, #tpu.memory_space<hbm>>
    tpu.enqueue_indirect_dma source(%dma_start3A_27 : memref<100000x128xf32, #tpu.memory_space<hbm>>) target(%dma_start3A_21 : memref<128x128xf32, #tpu.memory_space<vmem>>) offsets(%dma_start3A_24 : memref<128xi32, #tpu.memory_space<vmem>>) semaphore(%arg7 : memref<!tpu.dma_semaphore, #tpu.memory_space<semaphore_mem>>)
    %dma_start3A_28 = arith.constant 2 : i32
    %dma_start3A_29 = arith.constant 2 : i32
    %dma_start3A_30 = arith.constant 0 : i32
    %dma_start3A_31 = arith.constant 0 : i32
    %dma_start3A_32 = tpu.memref_slice %arg6[%dma_start3A_29, %dma_start3A_30, %dma_start3A_31] : memref<6x128x128xf32, #tpu.memory_space<vmem>> -> memref<1x128x128xf32, #tpu.memory_space<vmem>>
    %dma_start3A_33 = tpu.memref_squeeze %dma_start3A_32 : memref<1x128x128xf32, #tpu.memory_space<vmem>> -> memref<128x128xf32, #tpu.memory_space<vmem>>
    %dma_start3A_34 = arith.constant 0 : i32
    %dma_start3A_35 = tpu.memref_slice %arg5[%dma_start3A_28, %dma_start3A_34] : memref<56x128xi32, #tpu.memory_space<vmem>> -> memref<1x128xi32, #tpu.memory_space<vmem>>
    %dma_start3A_36 = tpu.memref_squeeze %dma_start3A_35 : memref<1x128xi32, #tpu.memory_space<vmem>> -> memref<128xi32, #tpu.memory_space<vmem>>
    %dma_start3A_37 = arith.constant 0 : i32
    %dma_start3A_38 = arith.constant 0 : i32
    %dma_start3A_39 = tpu.memref_slice %arg3[%dma_start3A_37, %dma_start3A_38] : memref<100000x128xf32, #tpu.memory_space<hbm>> -> memref<100000x128xf32, #tpu.memory_space<hbm>>
    tpu.enqueue_indirect_dma source(%dma_start3A_39 : memref<100000x128xf32, #tpu.memory_space<hbm>>) target(%dma_start3A_33 : memref<128x128xf32, #tpu.memory_space<vmem>>) offsets(%dma_start3A_36 : memref<128xi32, #tpu.memory_space<vmem>>) semaphore(%arg7 : memref<!tpu.dma_semaphore, #tpu.memory_space<semaphore_mem>>)
    %dma_start3A_40 = arith.constant 3 : i32
    %dma_start3A_41 = arith.constant 3 : i32
    %dma_start3A_42 = arith.constant 0 : i32
    %dma_start3A_43 = arith.constant 0 : i32
    %dma_start3A_44 = tpu.memref_slice %arg6[%dma_start3A_41, %dma_start3A_42, %dma_start3A_43] : memref<6x128x128xf32, #tpu.memory_space<vmem>> -> memref<1x128x128xf32, #tpu.memory_space<vmem>>
    %dma_start3A_45 = tpu.memref_squeeze %dma_start3A_44 : memref<1x128x128xf32, #tpu.memory_space<vmem>> -> memref<128x128xf32, #tpu.memory_space<vmem>>
    %dma_start3A_46 = arith.constant 0 : i32
    %dma_start3A_47 = tpu.memref_slice %arg5[%dma_start3A_40, %dma_start3A_46] : memref<56x128xi32, #tpu.memory_space<vmem>> -> memref<1x128xi32, #tpu.memory_space<vmem>>
    %dma_start3A_48 = tpu.memref_squeeze %dma_start3A_47 : memref<1x128xi32, #tpu.memory_space<vmem>> -> memref<128xi32, #tpu.memory_space<vmem>>
    %dma_start3A_49 = arith.constant 0 : i32
    %dma_start3A_50 = arith.constant 0 : i32
    %dma_start3A_51 = tpu.memref_slice %arg3[%dma_start3A_49, %dma_start3A_50] : memref<100000x128xf32, #tpu.memory_space<hbm>> -> memref<100000x128xf32, #tpu.memory_space<hbm>>
    tpu.enqueue_indirect_dma source(%dma_start3A_51 : memref<100000x128xf32, #tpu.memory_space<hbm>>) target(%dma_start3A_45 : memref<128x128xf32, #tpu.memory_space<vmem>>) offsets(%dma_start3A_48 : memref<128xi32, #tpu.memory_space<vmem>>) semaphore(%arg7 : memref<!tpu.dma_semaphore, #tpu.memory_space<semaphore_mem>>)
    %dma_start3A_52 = arith.constant 4 : i32
    %dma_start3A_53 = arith.constant 4 : i32
    %dma_start3A_54 = arith.constant 0 : i32
    %dma_start3A_55 = arith.constant 0 : i32
    %dma_start3A_56 = tpu.memref_slice %arg6[%dma_start3A_53, %dma_start3A_54, %dma_start3A_55] : memref<6x128x128xf32, #tpu.memory_space<vmem>> -> memref<1x128x128xf32, #tpu.memory_space<vmem>>
    %dma_start3A_57 = tpu.memref_squeeze %dma_start3A_56 : memref<1x128x128xf32, #tpu.memory_space<vmem>> -> memref<128x128xf32, #tpu.memory_space<vmem>>
    %dma_start3A_58 = arith.constant 0 : i32
    %dma_start3A_59 = tpu.memref_slice %arg5[%dma_start3A_52, %dma_start3A_58] : memref<56x128xi32, #tpu.memory_space<vmem>> -> memref<1x128xi32, #tpu.memory_space<vmem>>
    %dma_start3A_60 = tpu.memref_squeeze %dma_start3A_59 : memref<1x128xi32, #tpu.memory_space<vmem>> -> memref<128xi32, #tpu.memory_space<vmem>>
    %dma_start3A_61 = arith.constant 0 : i32
    %dma_start3A_62 = arith.constant 0 : i32
    %dma_start3A_63 = tpu.memref_slice %arg3[%dma_start3A_61, %dma_start3A_62] : memref<100000x128xf32, #tpu.memory_space<hbm>> -> memref<100000x128xf32, #tpu.memory_space<hbm>>
    tpu.enqueue_indirect_dma source(%dma_start3A_63 : memref<100000x128xf32, #tpu.memory_space<hbm>>) target(%dma_start3A_57 : memref<128x128xf32, #tpu.memory_space<vmem>>) offsets(%dma_start3A_60 : memref<128xi32, #tpu.memory_space<vmem>>) semaphore(%arg7 : memref<!tpu.dma_semaphore, #tpu.memory_space<semaphore_mem>>)
    %scan3A = arith.constant 0 : i32
    %scan3A_64 = arith.constant 56 : i32
    %scan3A_65 = arith.addi %scan3A, %scan3A_64 : i32
    %scan3A_66 = arith.constant 1 : i32
    scf.for %scan3A_145 = %scan3A to %scan3A_65 step %scan3A_66  : i32 {
      %mul3A_146 = arith.constant 1 : i32
      %mul3A_147 = arith.muli %scan3A_145, %mul3A_146 : i32
      %add3A_148 = arith.constant 0 : i32
      %add3A_149 = arith.addi %add3A_148, %mul3A_147 : i32
      %rem3A = arith.constant 6 : i32
      %rem3A_150 = arith.remsi %add3A_149, %rem3A : i32
      %dma_wait3A_151 = arith.constant 0 : i32
      %dma_wait3A_152 = arith.constant 0 : i32
      %dma_wait3A_153 = tpu.memref_slice %arg6[%rem3A_150, %dma_wait3A_151, %dma_wait3A_152] : memref<6x128x128xf32, #tpu.memory_space<vmem>> -> memref<1x128x128xf32, #tpu.memory_space<vmem>>
      %dma_wait3A_154 = tpu.memref_squeeze %dma_wait3A_153 : memref<1x128x128xf32, #tpu.memory_space<vmem>> -> memref<128x128xf32, #tpu.memory_space<vmem>>
      %dma_wait3A_155 = arith.constant 0 : i32
      %dma_wait3A_156 = arith.constant 0 : i32
      %dma_wait3A_157 = tpu.memref_slice %arg3[%dma_wait3A_155, %dma_wait3A_156] : memref<100000x128xf32, #tpu.memory_space<hbm>> -> memref<128x128xf32, #tpu.memory_space<hbm>>
      %dma_wait3A_158 = arith.constant 0 : i32
      %dma_wait3A_159 = arith.constant 0 : i32
      %dma_wait3A_160 = tpu.memref_slice %arg6[%rem3A_150, %dma_wait3A_158, %dma_wait3A_159] : memref<6x128x128xf32, #tpu.memory_space<vmem>> -> memref<1x128x128xf32, #tpu.memory_space<vmem>>
      %dma_wait3A_161 = tpu.memref_squeeze %dma_wait3A_160 : memref<1x128x128xf32, #tpu.memory_space<vmem>> -> memref<128x128xf32, #tpu.memory_space<vmem>>
      %dma_wait3A_162 = arith.constant 0 : i32
      %dma_wait3A_163 = arith.constant 0 : i32
      %dma_wait3A_164 = tpu.memref_slice %arg3[%dma_wait3A_162, %dma_wait3A_163] : memref<100000x128xf32, #tpu.memory_space<hbm>> -> memref<128x128xf32, #tpu.memory_space<hbm>>
      tpu.wait_dma2 semaphore(%arg7 : memref<!tpu.dma_semaphore, #tpu.memory_space<semaphore_mem>>) src(%dma_wait3A_164 : memref<128x128xf32, #tpu.memory_space<hbm>>) dst(%dma_wait3A_161 : memref<128x128xf32, #tpu.memory_space<vmem>>)
      %mul3A_165 = arith.constant 128 : i32
      %mul3A_166 = arith.muli %add3A_149, %mul3A_165 : i32
      %add3A_167 = arith.addi %mul3A_4, %mul3A_166 : i32
      %dma_start3A_168 = arith.constant 0 : i32
      %dma_start3A_169 = arith.constant 0 : i32
      %dma_start3A_170 = tpu.memref_slice %arg6[%rem3A_150, %dma_start3A_168, %dma_start3A_169] : memref<6x128x128xf32, #tpu.memory_space<vmem>> -> memref<1x128x128xf32, #tpu.memory_space<vmem>>
      %dma_start3A_171 = tpu.memref_squeeze %dma_start3A_170 : memref<1x128x128xf32, #tpu.memory_space<vmem>> -> memref<128x128xf32, #tpu.memory_space<vmem>>
      %dma_start3A_172 = arith.constant 0 : i32
      %dma_start3A_173 = tpu.memref_slice %arg4[%add3A_167, %dma_start3A_172] : memref<229376x128xf32, #tpu.memory_space<hbm>> -> memref<128x128xf32, #tpu.memory_space<hbm>>
      %dma_start3A_174 = arith.constant 0 : i32
      %dma_start3A_175 = tpu.memref_slice %arg4[%add3A_167, %dma_start3A_174] : memref<229376x128xf32, #tpu.memory_space<hbm>> -> memref<128x128xf32, #tpu.memory_space<hbm>>
      %dma_start3A_176 = arith.constant 0 : i32
      %dma_start3A_177 = arith.constant 0 : i32
      %dma_start3A_178 = tpu.memref_slice %arg6[%rem3A_150, %dma_start3A_176, %dma_start3A_177] : memref<6x128x128xf32, #tpu.memory_space<vmem>> -> memref<1x128x128xf32, #tpu.memory_space<vmem>>
      %dma_start3A_179 = tpu.memref_squeeze %dma_start3A_178 : memref<1x128x128xf32, #tpu.memory_space<vmem>> -> memref<128x128xf32, #tpu.memory_space<vmem>>
      tpu.enqueue_dma source(%dma_start3A_179 : memref<128x128xf32, #tpu.memory_space<vmem>>) target(%dma_start3A_175 : memref<128x128xf32, #tpu.memory_space<hbm>>) target_semaphore(%arg8 : memref<!tpu.dma_semaphore, #tpu.memory_space<semaphore_mem>>)
      %gt3A = arith.constant 0 : i32
      %gt3A_180 = arith.cmpi sgt, %add3A_149, %gt3A : i32
      %lt3A = arith.constant 51 : i32
      %lt3A_181 = arith.cmpi slt, %add3A_149, %lt3A : i32
      %and3A = arith.andi %gt3A_180, %lt3A_181 : i1
      %convert_element_type3A = arith.extui %and3A : i1 to i32
      %cond3A = arith.constant 0 : i32
      %cond3A_182 = arith.cmpi ne, %convert_element_type3A, %cond3A : i32
      scf.if %cond3A_182 {
        %dma_wait3A_188 = arith.constant 0 : i32
        %dma_wait3A_189 = arith.constant 0 : i32
        %dma_wait3A_190 = tpu.memref_slice %arg6[%rem3A_150, %dma_wait3A_188, %dma_wait3A_189] : memref<6x128x128xf32, #tpu.memory_space<vmem>> -> memref<1x128x128xf32, #tpu.memory_space<vmem>>
        %dma_wait3A_191 = tpu.memref_squeeze %dma_wait3A_190 : memref<1x128x128xf32, #tpu.memory_space<vmem>> -> memref<128x128xf32, #tpu.memory_space<vmem>>
        %dma_wait3A_192 = arith.constant 0 : i32
        %dma_wait3A_193 = tpu.memref_slice %arg4[%mul3A_4, %dma_wait3A_192] : memref<229376x128xf32, #tpu.memory_space<hbm>> -> memref<128x128xf32, #tpu.memory_space<hbm>>
        %dma_wait3A_194 = arith.constant 0 : i32
        %dma_wait3A_195 = tpu.memref_slice %arg4[%mul3A_4, %dma_wait3A_194] : memref<229376x128xf32, #tpu.memory_space<hbm>> -> memref<128x128xf32, #tpu.memory_space<hbm>>
        %dma_wait3A_196 = arith.constant 0 : i32
        %dma_wait3A_197 = arith.constant 0 : i32
        %dma_wait3A_198 = tpu.memref_slice %arg6[%rem3A_150, %dma_wait3A_196, %dma_wait3A_197] : memref<6x128x128xf32, #tpu.memory_space<vmem>> -> memref<1x128x128xf32, #tpu.memory_space<vmem>>
        %dma_wait3A_199 = tpu.memref_squeeze %dma_wait3A_198 : memref<1x128x128xf32, #tpu.memory_space<vmem>> -> memref<128x128xf32, #tpu.memory_space<vmem>>
        tpu.wait_dma2 semaphore(%arg8 : memref<!tpu.dma_semaphore, #tpu.memory_space<semaphore_mem>>) src(%dma_wait3A_199 : memref<128x128xf32, #tpu.memory_space<vmem>>) dst(%dma_wait3A_195 : memref<128x128xf32, #tpu.memory_space<hbm>>)
      } else {
      }
      %lt3A_183 = arith.constant 51 : i32
      %lt3A_184 = arith.cmpi slt, %add3A_149, %lt3A_183 : i32
      %convert_element_type3A_185 = arith.extui %lt3A_184 : i1 to i32
      %cond3A_186 = arith.constant 0 : i32
      %cond3A_187 = arith.cmpi ne, %convert_element_type3A_185, %cond3A_186 : i32
      scf.if %cond3A_187 {
        %add3A_188 = arith.constant 6 : i32
        %add3A_189 = arith.addi %add3A_149, %add3A_188 : i32
        %sub3A = arith.constant 1 : i32
        %sub3A_190 = arith.subi %add3A_189, %sub3A : i32
        %add3A_191 = arith.constant 6 : i32
        %add3A_192 = arith.addi %add3A_149, %add3A_191 : i32
        %sub3A_193 = arith.constant 1 : i32
        %sub3A_194 = arith.subi %add3A_192, %sub3A_193 : i32
        %rem3A_195 = arith.constant 6 : i32
        %rem3A_196 = arith.remsi %sub3A_194, %rem3A_195 : i32
        %dma_start3A_197 = arith.constant 0 : i32
        %dma_start3A_198 = arith.constant 0 : i32
        %dma_start3A_199 = tpu.memref_slice %arg6[%rem3A_196, %dma_start3A_197, %dma_start3A_198] : memref<6x128x128xf32, #tpu.memory_space<vmem>> -> memref<1x128x128xf32, #tpu.memory_space<vmem>>
        %dma_start3A_200 = tpu.memref_squeeze %dma_start3A_199 : memref<1x128x128xf32, #tpu.memory_space<vmem>> -> memref<128x128xf32, #tpu.memory_space<vmem>>
        %dma_start3A_201 = arith.constant 0 : i32
        %dma_start3A_202 = tpu.memref_slice %arg5[%sub3A_190, %dma_start3A_201] : memref<56x128xi32, #tpu.memory_space<vmem>> -> memref<1x128xi32, #tpu.memory_space<vmem>>
        %dma_start3A_203 = tpu.memref_squeeze %dma_start3A_202 : memref<1x128xi32, #tpu.memory_space<vmem>> -> memref<128xi32, #tpu.memory_space<vmem>>
        %dma_start3A_204 = arith.constant 0 : i32
        %dma_start3A_205 = arith.constant 0 : i32
        %dma_start3A_206 = tpu.memref_slice %arg3[%dma_start3A_204, %dma_start3A_205] : memref<100000x128xf32, #tpu.memory_space<hbm>> -> memref<100000x128xf32, #tpu.memory_space<hbm>>
        tpu.enqueue_indirect_dma source(%dma_start3A_206 : memref<100000x128xf32, #tpu.memory_space<hbm>>) target(%dma_start3A_200 : memref<128x128xf32, #tpu.memory_space<vmem>>) offsets(%dma_start3A_203 : memref<128xi32, #tpu.memory_space<vmem>>) semaphore(%arg7 : memref<!tpu.dma_semaphore, #tpu.memory_space<semaphore_mem>>)
      } else {
      }
    }
    %scan3A_67 = arith.constant 56 : i32
    %dma_wait3A = arith.constant 0 : i32
    %dma_wait3A_68 = arith.constant 0 : i32
    %dma_wait3A_69 = arith.constant 0 : i32
    %dma_wait3A_70 = tpu.memref_slice %arg6[%dma_wait3A, %dma_wait3A_68, %dma_wait3A_69] : memref<6x128x128xf32, #tpu.memory_space<vmem>> -> memref<1x128x128xf32, #tpu.memory_space<vmem>>
    %dma_wait3A_71 = tpu.memref_squeeze %dma_wait3A_70 : memref<1x128x128xf32, #tpu.memory_space<vmem>> -> memref<128x128xf32, #tpu.memory_space<vmem>>
    %dma_wait3A_72 = arith.constant 0 : i32
    %dma_wait3A_73 = tpu.memref_slice %arg4[%mul3A_4, %dma_wait3A_72] : memref<229376x128xf32, #tpu.memory_space<hbm>> -> memref<128x128xf32, #tpu.memory_space<hbm>>
    %dma_wait3A_74 = arith.constant 0 : i32
    %dma_wait3A_75 = tpu.memref_slice %arg4[%mul3A_4, %dma_wait3A_74] : memref<229376x128xf32, #tpu.memory_space<hbm>> -> memref<128x128xf32, #tpu.memory_space<hbm>>
    %dma_wait3A_76 = arith.constant 0 : i32
    %dma_wait3A_77 = arith.constant 0 : i32
    %dma_wait3A_78 = tpu.memref_slice %arg6[%dma_wait3A, %dma_wait3A_76, %dma_wait3A_77] : memref<6x128x128xf32, #tpu.memory_space<vmem>> -> memref<1x128x128xf32, #tpu.memory_space<vmem>>
    %dma_wait3A_79 = tpu.memref_squeeze %dma_wait3A_78 : memref<1x128x128xf32, #tpu.memory_space<vmem>> -> memref<128x128xf32, #tpu.memory_space<vmem>>
    tpu.wait_dma2 semaphore(%arg8 : memref<!tpu.dma_semaphore, #tpu.memory_space<semaphore_mem>>) src(%dma_wait3A_79 : memref<128x128xf32, #tpu.memory_space<vmem>>) dst(%dma_wait3A_75 : memref<128x128xf32, #tpu.memory_space<hbm>>)
    %dma_wait3A_80 = arith.constant 0 : i32
    %dma_wait3A_81 = arith.constant 0 : i32
    %dma_wait3A_82 = arith.constant 0 : i32
    %dma_wait3A_83 = tpu.memref_slice %arg6[%dma_wait3A_80, %dma_wait3A_81, %dma_wait3A_82] : memref<6x128x128xf32, #tpu.memory_space<vmem>> -> memref<1x128x128xf32, #tpu.memory_space<vmem>>
    %dma_wait3A_84 = tpu.memref_squeeze %dma_wait3A_83 : memref<1x128x128xf32, #tpu.memory_space<vmem>> -> memref<128x128xf32, #tpu.memory_space<vmem>>
    %dma_wait3A_85 = arith.constant 0 : i32
    %dma_wait3A_86 = tpu.memref_slice %arg4[%mul3A_4, %dma_wait3A_85] : memref<229376x128xf32, #tpu.memory_space<hbm>> -> memref<128x128xf32, #tpu.memory_space<hbm>>
    %dma_wait3A_87 = arith.constant 0 : i32
    %dma_wait3A_88 = tpu.memref_slice %arg4[%mul3A_4, %dma_wait3A_87] : memref<229376x128xf32, #tpu.memory_space<hbm>> -> memref<128x128xf32, #tpu.memory_space<hbm>>
    %dma_wait3A_89 = arith.constant 0 : i32
    %dma_wait3A_90 = arith.constant 0 : i32
    %dma_wait3A_91 = tpu.memref_slice %arg6[%dma_wait3A_80, %dma_wait3A_89, %dma_wait3A_90] : memref<6x128x128xf32, #tpu.memory_space<vmem>> -> memref<1x128x128xf32, #tpu.memory_space<vmem>>
    %dma_wait3A_92 = tpu.memref_squeeze %dma_wait3A_91 : memref<1x128x128xf32, #tpu.memory_space<vmem>> -> memref<128x128xf32, #tpu.memory_space<vmem>>
    tpu.wait_dma2 semaphore(%arg8 : memref<!tpu.dma_semaphore, #tpu.memory_space<semaphore_mem>>) src(%dma_wait3A_92 : memref<128x128xf32, #tpu.memory_space<vmem>>) dst(%dma_wait3A_88 : memref<128x128xf32, #tpu.memory_space<hbm>>)
    %dma_wait3A_93 = arith.constant 0 : i32
    %dma_wait3A_94 = arith.constant 0 : i32
    %dma_wait3A_95 = arith.constant 0 : i32
    %dma_wait3A_96 = tpu.memref_slice %arg6[%dma_wait3A_93, %dma_wait3A_94, %dma_wait3A_95] : memref<6x128x128xf32, #tpu.memory_space<vmem>> -> memref<1x128x128xf32, #tpu.memory_space<vmem>>
    %dma_wait3A_97 = tpu.memref_squeeze %dma_wait3A_96 : memref<1x128x128xf32, #tpu.memory_space<vmem>> -> memref<128x128xf32, #tpu.memory_space<vmem>>
    %dma_wait3A_98 = arith.constant 0 : i32
    %dma_wait3A_99 = tpu.memref_slice %arg4[%mul3A_4, %dma_wait3A_98] : memref<229376x128xf32, #tpu.memory_space<hbm>> -> memref<128x128xf32, #tpu.memory_space<hbm>>
    %dma_wait3A_100 = arith.constant 0 : i32
    %dma_wait3A_101 = tpu.memref_slice %arg4[%mul3A_4, %dma_wait3A_100] : memref<229376x128xf32, #tpu.memory_space<hbm>> -> memref<128x128xf32, #tpu.memory_space<hbm>>
    %dma_wait3A_102 = arith.constant 0 : i32
    %dma_wait3A_103 = arith.constant 0 : i32
    %dma_wait3A_104 = tpu.memref_slice %arg6[%dma_wait3A_93, %dma_wait3A_102, %dma_wait3A_103] : memref<6x128x128xf32, #tpu.memory_space<vmem>> -> memref<1x128x128xf32, #tpu.memory_space<vmem>>
    %dma_wait3A_105 = tpu.memref_squeeze %dma_wait3A_104 : memref<1x128x128xf32, #tpu.memory_space<vmem>> -> memref<128x128xf32, #tpu.memory_space<vmem>>
    tpu.wait_dma2 semaphore(%arg8 : memref<!tpu.dma_semaphore, #tpu.memory_space<semaphore_mem>>) src(%dma_wait3A_105 : memref<128x128xf32, #tpu.memory_space<vmem>>) dst(%dma_wait3A_101 : memref<128x128xf32, #tpu.memory_space<hbm>>)
    %dma_wait3A_106 = arith.constant 0 : i32
    %dma_wait3A_107 = arith.constant 0 : i32
    %dma_wait3A_108 = arith.constant 0 : i32
    %dma_wait3A_109 = tpu.memref_slice %arg6[%dma_wait3A_106, %dma_wait3A_107, %dma_wait3A_108] : memref<6x128x128xf32, #tpu.memory_space<vmem>> -> memref<1x128x128xf32, #tpu.memory_space<vmem>>
    %dma_wait3A_110 = tpu.memref_squeeze %dma_wait3A_109 : memref<1x128x128xf32, #tpu.memory_space<vmem>> -> memref<128x128xf32, #tpu.memory_space<vmem>>
    %dma_wait3A_111 = arith.constant 0 : i32
    %dma_wait3A_112 = tpu.memref_slice %arg4[%mul3A_4, %dma_wait3A_111] : memref<229376x128xf32, #tpu.memory_space<hbm>> -> memref<128x128xf32, #tpu.memory_space<hbm>>
    %dma_wait3A_113 = arith.constant 0 : i32
    %dma_wait3A_114 = tpu.memref_slice %arg4[%mul3A_4, %dma_wait3A_113] : memref<229376x128xf32, #tpu.memory_space<hbm>> -> memref<128x128xf32, #tpu.memory_space<hbm>>
    %dma_wait3A_115 = arith.constant 0 : i32
    %dma_wait3A_116 = arith.constant 0 : i32
    %dma_wait3A_117 = tpu.memref_slice %arg6[%dma_wait3A_106, %dma_wait3A_115, %dma_wait3A_116] : memref<6x128x128xf32, #tpu.memory_space<vmem>> -> memref<1x128x128xf32, #tpu.memory_space<vmem>>
    %dma_wait3A_118 = tpu.memref_squeeze %dma_wait3A_117 : memref<1x128x128xf32, #tpu.memory_space<vmem>> -> memref<128x128xf32, #tpu.memory_space<vmem>>
    tpu.wait_dma2 semaphore(%arg8 : memref<!tpu.dma_semaphore, #tpu.memory_space<semaphore_mem>>) src(%dma_wait3A_118 : memref<128x128xf32, #tpu.memory_space<vmem>>) dst(%dma_wait3A_114 : memref<128x128xf32, #tpu.memory_space<hbm>>)
    %dma_wait3A_119 = arith.constant 0 : i32
    %dma_wait3A_120 = arith.constant 0 : i32
    %dma_wait3A_121 = arith.constant 0 : i32
    %dma_wait3A_122 = tpu.memref_slice %arg6[%dma_wait3A_119, %dma_wait3A_120, %dma_wait3A_121] : memref<6x128x128xf32, #tpu.memory_space<vmem>> -> memref<1x128x128xf32, #tpu.memory_space<vmem>>
    %dma_wait3A_123 = tpu.memref_squeeze %dma_wait3A_122 : memref<1x128x128xf32, #tpu.memory_space<vmem>> -> memref<128x128xf32, #tpu.memory_space<vmem>>
    %dma_wait3A_124 = arith.constant 0 : i32
    %dma_wait3A_125 = tpu.memref_slice %arg4[%mul3A_4, %dma_wait3A_124] : memref<229376x128xf32, #tpu.memory_space<hbm>> -> memref<128x128xf32, #tpu.memory_space<hbm>>
    %dma_wait3A_126 = arith.constant 0 : i32
    %dma_wait3A_127 = tpu.memref_slice %arg4[%mul3A_4, %dma_wait3A_126] : memref<229376x128xf32, #tpu.memory_space<hbm>> -> memref<128x128xf32, #tpu.memory_space<hbm>>
    %dma_wait3A_128 = arith.constant 0 : i32
    %dma_wait3A_129 = arith.constant 0 : i32
    %dma_wait3A_130 = tpu.memref_slice %arg6[%dma_wait3A_119, %dma_wait3A_128, %dma_wait3A_129] : memref<6x128x128xf32, #tpu.memory_space<vmem>> -> memref<1x128x128xf32, #tpu.memory_space<vmem>>
    %dma_wait3A_131 = tpu.memref_squeeze %dma_wait3A_130 : memref<1x128x128xf32, #tpu.memory_space<vmem>> -> memref<128x128xf32, #tpu.memory_space<vmem>>
    tpu.wait_dma2 semaphore(%arg8 : memref<!tpu.dma_semaphore, #tpu.memory_space<semaphore_mem>>) src(%dma_wait3A_131 : memref<128x128xf32, #tpu.memory_space<vmem>>) dst(%dma_wait3A_127 : memref<128x128xf32, #tpu.memory_space<hbm>>)
    %dma_wait3A_132 = arith.constant 0 : i32
    %dma_wait3A_133 = arith.constant 0 : i32
    %dma_wait3A_134 = arith.constant 0 : i32
    %dma_wait3A_135 = tpu.memref_slice %arg6[%dma_wait3A_132, %dma_wait3A_133, %dma_wait3A_134] : memref<6x128x128xf32, #tpu.memory_space<vmem>> -> memref<1x128x128xf32, #tpu.memory_space<vmem>>
    %dma_wait3A_136 = tpu.memref_squeeze %dma_wait3A_135 : memref<1x128x128xf32, #tpu.memory_space<vmem>> -> memref<128x128xf32, #tpu.memory_space<vmem>>
    %dma_wait3A_137 = arith.constant 0 : i32
    %dma_wait3A_138 = tpu.memref_slice %arg4[%mul3A_4, %dma_wait3A_137] : memref<229376x128xf32, #tpu.memory_space<hbm>> -> memref<128x128xf32, #tpu.memory_space<hbm>>
    %dma_wait3A_139 = arith.constant 0 : i32
    %dma_wait3A_140 = tpu.memref_slice %arg4[%mul3A_4, %dma_wait3A_139] : memref<229376x128xf32, #tpu.memory_space<hbm>> -> memref<128x128xf32, #tpu.memory_space<hbm>>
    %dma_wait3A_141 = arith.constant 0 : i32
    %dma_wait3A_142 = arith.constant 0 : i32
    %dma_wait3A_143 = tpu.memref_slice %arg6[%dma_wait3A_132, %dma_wait3A_141, %dma_wait3A_142] : memref<6x128x128xf32, #tpu.memory_space<vmem>> -> memref<1x128x128xf32, #tpu.memory_space<vmem>>
    %dma_wait3A_144 = tpu.memref_squeeze %dma_wait3A_143 : memref<1x128x128xf32, #tpu.memory_space<vmem>> -> memref<128x128xf32, #tpu.memory_space<vmem>>
    tpu.wait_dma2 semaphore(%arg8 : memref<!tpu.dma_semaphore, #tpu.memory_space<semaphore_mem>>) src(%dma_wait3A_144 : memref<128x128xf32, #tpu.memory_space<vmem>>) dst(%dma_wait3A_140 : memref<128x128xf32, #tpu.memory_space<hbm>>)
    return
  }
}

</mosaic_0001>

<sc_bundles>
// kernel: kernel.3.cloned.1.call-start
scs
__scs_entry_jumppad:
0x0: {  	(pc) =	sbr.rel $0x88, $3  }
0x1: {  	(tag) =	ssettag $0x0;
	lr =	simm.s32 $0x1  }
0x2: {  	[smem:$0x3F9F] =	sst lr;
	_ =	strace $0xD0000000  }
0x3: {  	_ = 	snop  }
0x4: {  	_ = 	snop  }
0x5: {  	_ = 	snop  }
0x6: {  	_ = 	snop  }
0x7: {  	_ = 	snop  }
__scs_overlays_trampoline_lowered:
0x8: {  	[smem:$0x3FAE] =	sst s0  }
0x9: {  	[smem:$0x3FAF] =	sst s1  }
0xa: {  	[smem:$0x3FB0] =	sst s2  }
0xb: {  	[smem:$0x3FB1] =	sst s3  }
0xc: {  	[smem:$0x3FB2] =	sst s4  }
0xd: {  	[smem:$0x3FB3] =	sst s5  }
0xe: {  	[smem:$0x3FB4] =	sst s6  }
0xf: {  	[smem:$0x3FB5] =	sst s7  }
0x10: {  	[smem:$0x3FB6] =	sst s8  }
0x11: {  	[smem:$0x3FB7] =	sst s9;
	s0 =	simm.s32 @!p0 $0x0  }
0x12: {  	s1 =	sld [smem:$0x3F9D];
	s0 =	simm.s32 @p0 $0x1  }
0x13: {  	[smem:$0x3FB8] =	sst s0;
	s0 =	simm.s32 @!p1 $0x0  }
0x14: {  	s2 =	sld [smem:$0x3F9C];
	s0 =	simm.s32 @p1 $0x1  }
0x15: {  	[smem:$0x3FB9] =	sst s0;
	s0 =	simm.s32 @!p2 $0x0  }
0x16: {  	s3 =	sld [smem:$0x3FDB];
	s0 =	simm.s32 @p2 $0x1  }
0x17: {  	s4 =	simm.s32 $0x1BF5;
	[smem:$0x3FBB] =	sst s0  }
0x18: {  	s0 =	sld [smem:$0x3F9E];
	_ =	swait.ge [sflag:s4], $0x0  }
0x19: {  	s7 =	sld [smem:$0x3F9F]  }
0x1a: {  	s8 =	sadd.s32 $0xFFFFE003, lr  }
0x1b: {  	s9 =	sadd.s32 $0xFFFFFEF7, lr;
	s5 =	simm.s32 $0xFFFFFFFF;
	p2 =	slt.u32 s8, $0xFFFFF086  }
0x1c: {  	p1 =	slt.u32 s9, $0xF7A;
	s5 =	simm.s32 @!p2 $0x0  }
0x1d: {  	s5 =	simm.s32 @p1 $0x1;
	p0 =	seq.s32 s7, s2  }
0x1e: {  	s7 =	smul.u32 @!p0 $0xF7A, s2;
	p2 =	seq.s32 @!p0 s5, $0x0  }
0x1f: {  	s9 =	smul.u32 $0xF7A, s1;
	s8 =	simm.s32 @!p0 $0x1BF5;
	p2 =	por !p2, p0  }
0x20: {  	[sflag:s8] =	ssyncset.s32 @!p0 $0xFFFFF086;
	s6 =	sadd.s32 @!p0 s3, s7;
	s7 =	simm.s32 @!p0 $0x108  }
0x21: {  	s3 =	sadd.s32 s3, s9;
	s6 =	sadd.s32 @!p0 $0x88, s6;
	s7 =	simm.s32 @p2 $0x1082  }
0x22: {  	[simem:s7], [sflag:s8] =	dma.local @!p0 [hbm:s6], $0xF7A  }
0x23: {  	s9 =	sor.u32 $0xD0000000, s2;
	s6 =	simm.s32 $0x108;
	_ =	swait.ge @!p0 [sflag:s8], $0x0  }
0x24: {  	s3 =	sadd.s32 $0x88, s3;
	s6 =	simm.s32 @!p1 $0x1082;
	[sflag:s4] =	ssyncset.s32 $0xFFFFF086  }
0x25: {  	[simem:s6], [sflag:s4] =	dma.local [hbm:s3], $0xF7A  }
0x26: {  	[smem:$0x3F9F] =	sst s1;
	(tag) =	ssettag s2;
	_ =	strace s9  }
0x27: {  	s1 =	sld [smem:$0x3FAF]  }
0x28: {  	s2 =	sld [smem:$0x3FB0]  }
0x29: {  	s4 =	sld [smem:$0x3FB2]  }
0x2a: {  	p0 =	seq.s32 s5, $0x0;
	s5 =	sld [smem:$0x3FB3]  }
0x2b: {  	s6 =	sld [smem:$0x3FB4]  }
0x2c: {  	s7 =	sld [smem:$0x3FB5]  }
0x2d: {  	s3 =	simm.s32 $0x108;
	s8 =	sld [smem:$0x3FB6]  }
0x2e: {  	s3 =	simm.s32 @!p0 $0x1082;
	s9 =	sld [smem:$0x3FB7]  }
0x2f: {  	lr =	sadd.s32 s0, s3;
	s0 =	sld [smem:$0x3FAE]  }
0x30: {  	s3 =	sld [smem:$0x3FB1]  }
0x31: {  	[smem:$0x3FBA] =	sst s10  }
0x32: {  	s10 =	sld [smem:$0x3FB8];
	_ =	sdelay $0x3  }
0x33: {  	p0 =	seq.s32 s10, $0x1;
	s10 =	sld [smem:$0x3FBA];
	_ =	sdelay $0x3  }
0x34: {  	[smem:$0x3FBA] =	sst s10  }
0x35: {  	s10 =	sld [smem:$0x3FB9];
	_ =	sdelay $0x3  }
0x36: {  	p1 =	seq.s32 s10, $0x1;
	s10 =	sld [smem:$0x3FBA];
	_ =	sdelay $0x3  }
0x37: {  	[smem:$0x3FBA] =	sst s10  }
0x38: {  	s10 =	sld [smem:$0x3FBB]  }
0x39: {  	_ = 	snop;
	(pc) =	sbr.ind lr, $3  }
0x3a: {  	_ = 	snop  }
0x3b: {  	_ = 	snop  }
0x3c: {  	p2 =	seq.s32 s10, $0x1;
	s10 =	sld [smem:$0x3FBA]  }
0x3d: {  	_ =	shalt  }
0x3e: {  	_ =	shalt  }
0x3f: {  	_ =	shalt  }
0x40: {  	_ =	shalt  }
0x41: {  	_ =	shalt  }
0x42: {  	_ =	shalt  }
0x43: {  	_ =	shalt  }
0x44: {  	_ =	shalt  }
0x45: {  	_ =	shalt  }
0x46: {  	_ =	shalt  }
0x47: {  	_ =	shalt  }
0x48: {  	_ =	shalt  }
0x49: {  	_ =	shalt  }
0x4a: {  	_ =	shalt  }
0x4b: {  	_ =	shalt  }
0x4c: {  	_ =	shalt  }
0x4d: {  	_ =	shalt  }
0x4e: {  	_ =	shalt  }
0x4f: {  	_ =	shalt  }
0x50: {  	_ =	shalt  }
0x51: {  	_ =	shalt  }
0x52: {  	_ =	shalt  }
0x53: {  	_ =	shalt  }
0x54: {  	_ =	shalt  }
0x55: {  	_ =	shalt  }
0x56: {  	_ =	shalt  }
0x57: {  	_ =	shalt  }
0x58: {  	_ =	shalt  }
0x59: {  	_ =	shalt  }
0x5a: {  	_ =	shalt  }
0x5b: {  	_ =	shalt  }
0x5c: {  	_ =	shalt  }
0x5d: {  	_ =	shalt  }
0x5e: {  	_ =	shalt  }
0x5f: {  	_ =	shalt  }
0x60: {  	_ =	shalt  }
0x61: {  	_ =	shalt  }
0x62: {  	_ =	shalt  }
0x63: {  	_ =	shalt  }
0x64: {  	_ =	shalt  }
0x65: {  	_ =	shalt  }
0x66: {  	_ =	shalt  }
0x67: {  	_ =	shalt  }
0x68: {  	_ =	shalt  }
0x69: {  	_ =	shalt  }
0x6a: {  	_ =	shalt  }
0x6b: {  	_ =	shalt  }
0x6c: {  	_ =	shalt  }
0x6d: {  	_ =	shalt  }
0x6e: {  	_ =	shalt  }
0x6f: {  	_ =	shalt  }
0x70: {  	_ =	shalt  }
0x71: {  	_ =	shalt  }
0x72: {  	_ =	shalt  }
0x73: {  	_ =	shalt  }
0x74: {  	_ =	shalt  }
0x75: {  	_ =	shalt  }
0x76: {  	_ =	shalt  }
0x77: {  	_ =	shalt  }
0x78: {  	_ =	shalt  }
0x79: {  	_ =	shalt  }
0x7a: {  	_ =	shalt  }
0x7b: {  	_ =	shalt  }
0x7c: {  	_ =	shalt  }
0x7d: {  	_ =	shalt  }
0x7e: {  	_ =	shalt  }
0x7f: {  	_ =	shalt  }
0x80: {  	_ =	shalt  }
0x81: {  	_ =	shalt  }
0x82: {  	_ =	shalt  }
0x83: {  	_ =	shalt  }
0x84: {  	_ =	shalt  }
0x85: {  	_ =	shalt  }
0x86: {  	_ =	shalt  }
0x87: {  	_ =	shalt  }
.Lfunc_end0:
.L_simem_size_0:
called_computation_lowered:
.L_overlay_start_0:
0x88: {  	s2 =	sld [smem:$0x3FD9]  }
0x89: {  	s3 =	sld [smem:$0x3FFE];
	_ =	sdelay $0x1  }
0x8a: {  	s1 =	srdreg.scid  }
0x8b: {  	s0 =	sand.u32 $0x1, s1  }
0x8c: {  	s17 =	sshll.u32 s0, $0xA;
	s2 =	sadd.s32 s3, s2  }
0x8d: {  	s2 =	sadd.s32 s2, s17  }
0x8e: {  	[smem:$0x3FC6] =	sst s2  }
0x8f: {  	_ = 	snop  }
0x90: {  	s2 =	sld [smem:$0x3FC8]  }
0x91: {  	s18 =	sld [smem:$0x3FD0];
	(tm) =	ssettm $0x1  }
0x92: {  	s4 =	sld [smem:$0x3FFB];
	_ =	sdelay $0x3  }
0x93: {  	_ =	strace s4  }
0x94: {  	s4 =	sld [smem:$0x3FFC];
	_ =	sdelay $0x3  }
0x95: {  	_ =	strace s4  }
0x96: {  	s4 =	sld [smem:$0x3FFD];
	_ =	sdelay $0x3  }
0x97: {  	_ =	strace s4  }
0x98: {  	_ =	strace $0x8FFFFFFF  }
0x99: {  	s19 =	sld [smem:$0x3FDB];
	_ =	sdelay $0x1  }
0x9a: {  	s5 =	simm.s32 $_scs_section_size  }
0x9b: {  	s6 =	simm.s32 $_size__tile_overlayer_lowered;
	s7 =	simm.s32 $_tile_overlayer_lowered  }
0x9c: {  	s22 =	simm.s32 $0x1BFF;
	s21 =	sshll.u32 s7, $0x1;
	s4 =	sadd.s32 s5, s19  }
0x9d: {  	s8 =	simm.s32 $0x0;
	s20 =	sshll.u32 s6, $0x1;
	s6 =	sadd.s32 s21, s4  }
0x9e: {  	[timem:s8], [sflag:s22] =	dma.local [hbm:s6], s20  }
0x9f: {  	_ =	swait.ge [sflag:s22], s20  }
0xa0: {  	s5 =	ssub.s32 $0x0, s20;
	[sflag:s22] =	ssyncset.done $0x0  }
0xa1: {  	[sflag:s22] =	ssyncadd.s32 s5;
	_ =	sdelay $0x1  }
0xa2: {  	s23 =	simm.s32 $0x1B8B  }
0xa3: {  	_ =	swait.ge [sflag:s23], $0x1  }
0xa4: {  	[sflag:s23] =	ssyncset.done $0x0  }
0xa5: {  	s25 =	simm.s32 $0x1B8E;
	s24 =	sld [smem:$0x3FFE];
	[sflag:s23] =	ssyncadd.s32 $0xFFFFFFFF  }
0xa6: {  	s26 =	simm.s32 $execute0_lowered;
	[smem:$0x3FD2] =	sst s25  }
0xa7: {  	s6 =	sshll.u32 s26, $0x1;
	_ =	strace $0x80000046;
	[dreg:$0x1] =	wrdreg $0xFFFFFFFF  }
0xa8: {  	s28 =	simm.s32 $_size_execute0_lowered;
	s4 =	sadd.s32 s4, s6;
	[dreg:$0x0] =	wrdreg $0x0  }
0xa9: {  	s6 =	sshll.u32 s28, $0x1;
	[dreg:$0x2] =	wrdreg s4  }
0xaa: {  	[dreg:$0x3] =	wrdreg s6  }
0xab: {  	[dreg:$0x4] =	wrdreg $0xC0  }
0xac: {  	_ =	task [dreg:s8], $0x5FFFF  }
0xad: {  	[dreg:$0x1] =	wrdreg $0xFFFFFFFF  }
0xae: {  	[dreg:$0x0] =	wrdreg $0x60  }
0xaf: {  	[dreg:$0x2] =	wrdreg s18  }
0xb0: {  	[dreg:$0x3] =	wrdreg s2  }
0xb1: {  	[dreg:$0x4] =	wrdreg s24  }
0xb2: {  	[dreg:$0x5] =	wrdreg $0x9  }
0xb3: {  	_ =	task.clear_ibuf [dreg:s8], $0x6FFFF;
	_ =	strace $0x90000046  }
0xb4: {  	s29 =	simm.s32 $0x9;
	_ =	strace $0x80000048  }
0xb5: {  	_ =	swait.ge [sflag:s29], $0x1  }
0xb6: {  	[sflag:s29] =	ssyncadd.s32 $0xFFFFFFFF  }
0xb7: {  	_ =	strace $0x90000048  }
0xb8: {  	_ =	sfence  }
0xb9: {  	s30 =	sld [smem:$0x0];
	_ =	sdelay $0x2  }
0xba: {  	s31 =	sshll.u32 s1, $0xD;
	s1 =	sshrl.u32 s1, $0x2  }
0xbb: {  	s3 =	sand.u32 $0x4000, s31;
	s1 =	sadd.s32 s1, s30  }
0xbc: {  	s0 =	sor.u32 s3, s0;
	s1 =	sshll.u32 s1, $0x11  }
0xbd: {  	s0 =	sor.u32 s1, s0  }
0xbe: {  	s0 =	sadd.s32 $0x8F2B, s0  }
0xbf: {  	[sflag:s0] =	ssyncadd.remote.s32 $0x1  }
0xc0: {  	_ =	sfence.sel $0xFFFF  }
0xc1: {  	[dreg:$0x0] =	wrdreg $0xFFFFFFFF;
	(pc) =	sbr.abs _section_cstart, $3  }
0xc2: {  	[dreg:$0x1] =	wrdreg $0xFFFFFFFF  }
0xc3: {  	_ =	task.clear_ibuf [dreg:s8], $0x2FFFF;
	_ =	strace $0x9FFFFFFF  }
0xc4: {  	(tm) =	ssettm $0x7FFFFFFF  }
0xc5: {  	_ =	shalt  }
tec
execute0_lowered:
.L_overlay_start_1:
0x0: {  	(tag) =	ssettag $0x1  }
0x1: {  	s4 =	rddreg [dreg:$0x0]  }
0x2: {  	s2 =	rddreg [dreg:$0x1]  }
0x3: {  	s5 =	rddreg [dreg:$0x2]  }
0x4: {  	s3 =	srdreg.scid;
	s1 =	stileid.u32  }
0x5: {  	s0 =	rddreg [dreg:$0x3];
	s10 =	simm.s32 $0x5C00;
	s11 =	simm.s32 $0x100  }
0x6: {  	s12 =	simm.s32 $0x9C00;
	s13 =	simm.s32 $0x180;
	s14 =	simm.s32 $0xDC00  }
0x7: {  	s15 =	simm.s32 $0x200;
	s16 =	simm.s32 $0x11C00;
	s17 =	simm.s32 $0x1  }
0x8: {  	s6 =	sand.u32 $0x1, s3;
	s7 =	smul.u32 $0x1C0000, s1;
	s9 =	sshll.u32 s1, $0x1  }
0x9: {  	s18 =	simm.s32 $0x2;
	s8 =	smul.u32 $0xE0000, s6;
	s9 =	sor.u32 s6, s9  }
0xa: {  	s19 =	simm.s32 $0x0;
	s3 =	simm.s32 $0x0;
	s29 =	smul.u32 $0x380, s9  }
.Ltmp0:
0xb: {  	[smem:$0x7FF] =	sst s3;
	s6 =	ssub.s32 $0x2, s6;
	(pc) =	sbr.rel .LBB2_1-.Ltmp0, $4  }
0xc: {  	_ =	strace $0x80000047;
	s30 =	sshrl.u32 s6, $0x1;
	s7 =	sadd.s32 s8, s7  }
0xd: {  	s9 =	simm.s32 $0x1C00;
	s31 =	ssub.s32 s6, s30;
	s7 =	sshrl.u32 s7, $0x3  }
0xe: {  	s8 =	simm.s32 $0x80;
	s4 =	sadd.s32 s4, s29;
	s7 =	sadd.s32 s7, s5  }
0xf: {  	s5 =	smax.u32 s31, $0x1;
	s6 =	sadd.s32 $0x600, s7;
	s7 =	simm.s32 $0x3  }
.LBB2_7:
0x10: {  	_ =	swait.ge [sflag:s18], $0x4000  }
0x11: {  	[sflag:s18] =	ssyncset.done $0x0  }
0x12: {  	[sflag:s18] =	ssyncadd.s32 $0xFFFFC000  }
0x13: {  	_ =	swait.ge [sflag:s18], $0x4000  }
0x14: {  	[sflag:s18] =	ssyncset.done $0x0  }
0x15: {  	[sflag:s18] =	ssyncadd.s32 $0xFFFFC000  }
0x16: {  	_ =	swait.ge [sflag:s18], $0x4000  }
0x17: {  	[sflag:s18] =	ssyncset.done $0x0  }
0x18: {  	[sflag:s18] =	ssyncadd.s32 $0xFFFFC000  }
0x19: {  	_ =	swait.ge [sflag:s18], $0x4000  }
0x1a: {  	[sflag:s18] =	ssyncset.done $0x0  }
0x1b: {  	s19 =	sadd.s32 $0x1, s19;
	[sflag:s18] =	ssyncadd.s32 $0xFFFFC000  }
0x1c: {  	p0 =	sne.s32 s19, s5;
	_ =	swait.ge [sflag:s18], $0x4000  }
.Ltmp1:
0x1d: {  	[sflag:s18] =	ssyncset.done $0x0;
	(pc) =	sbr.rel @!p0 .LBB2_8-.Ltmp1, $4  }
0x1e: {  	[sflag:s18] =	ssyncadd.s32 $0xFFFFC000  }
0x1f: {  	_ =	swait.ge [sflag:s18], $0x4000  }
0x20: {  	[sflag:s18] =	ssyncset.done $0x0  }
0x21: {  	[sflag:s18] =	ssyncadd.s32 $0xFFFFC000  }
.LBB2_1:
0x22: {  	[tilespmem:s3], [sflag:$0x3] =	stream.linear.gather [hbm4b:s4+s3], $0x1C00, $0x38;
	[tilespmem:$0x19C00] =	vst v63  }
0x23: {  	_ =	swait.ge [sflag:s7], $0x1C00  }
0x24: {  	[sflag:s7] =	ssyncset.done $0x0  }
0x25: {  	[sflag:s7] =	ssyncadd.s32 $0xFFFFE400  }
0x26: {  	[tilespmem:s9], [sflag:$0x1] =	stream.indirect.gather [hbm4b:s2+s8], $0x80, s3, s8, $0xb8;
	[tilespmem:$0x19C00] =	vst v63  }
0x27: {  	_ = 	snop  }
0x28: {  	[tilespmem:s10], [sflag:$0x1] =	stream.indirect.gather [hbm4b:s2+s8], $0x80, s8, s8, $0xb8;
	[tilespmem:$0x19C00] =	vst v63  }
0x29: {  	_ = 	snop  }
0x2a: {  	[tilespmem:s12], [sflag:$0x1] =	stream.indirect.gather [hbm4b:s2+s8], $0x80, s11, s8, $0xb8;
	[tilespmem:$0x19C00] =	vst v63  }
.Ltmp2:
0x2b: {  	_ = 	snop;
	(pc) =	sbr.rel .LBB2_2-.Ltmp2, $4  }
0x2c: {  	_ = 	snop  }
0x2d: {  	[tilespmem:s14], [sflag:$0x1] =	stream.indirect.gather [hbm4b:s2+s8], $0x80, s13, s8, $0xb8;
	[tilespmem:$0x19C00] =	vst v63  }
0x2e: {  	s23 =	simm.s32 $0xFFFFFFFF;
	s20 =	simm.s32 $0x280;
	s21 =	smov.u32 s6  }
0x2f: {  	[tilespmem:s16], [sflag:$0x1] =	stream.indirect.gather [hbm4b:s2+s8], $0x80, s15, s8, $0xb8;
	[tilespmem:$0x19C00] =	vst v63  }
.LBB2_3:
0x30: {  	_ =	swait.ge [sflag:s18], $0x4000  }
0x31: {  	[sflag:s18] =	ssyncset.done $0x0  }
0x32: {  	[sflag:s18] =	ssyncadd.s32 $0xFFFFC000  }
.LBB2_5:
0x33: {  	s23 =	sadd.s32 $0x6, s23  }
0x34: {  	s24 =	smul.u32 $0xAB, s23;
	_ =	sdelay $0x1  }
0x35: {  	s24 =	sshrl.u32 s24, $0xA  }
0x36: {  	s24 =	sand.u32 $0x3F, s24  }
0x37: {  	s24 =	smul.u32 $0x6, s24;
	_ =	sdelay $0x1  }
0x38: {  	s23 =	ssub.s32 s23, s24  }
0x39: {  	s23 =	sand.u32 $0xFF, s23  }
0x3a: {  	s23 =	sshll.u32 s23, $0xE  }
0x3b: {  	s23 =	sor.u32 $0x1C00, s23  }
0x3c: {  	[tilespmem:s23], [sflag:$0x1] =	stream.indirect.gather [hbm4b:s2+s8], $0x80, s20, s8, $0xb8;
	[tilespmem:$0x19C00] =	vst v63  }
.LBB2_6:
0x3d: {  	p0 =	sne.s32 s22, $0x37  }
.Ltmp3:
0x3e: {  	_ = 	snop;
	(pc) =	sbr.rel @!p0 .LBB2_7-.Ltmp3, $2  }
0x3f: {  	_ =	sdelay $0x2  }
0x40: {  	s21 =	sadd.s32 $0x800, s21;
	s20 =	sadd.s32 $0x80, s20;
	s23 =	smov.u32 s22  }
.LBB2_2:
0x41: {  	s22 =	sadd.s32 $0x1, s23  }
0x42: {  	s24 =	smul.u32 $0xAB, s22;
	_ =	sdelay $0x1  }
0x43: {  	s24 =	sshrl.u32 s24, $0xA  }
0x44: {  	s24 =	sand.u32 $0x3F, s24  }
0x45: {  	s24 =	smul.u32 $0x6, s24  }
0x46: {  	p0 =	sgt.u32 s23, $0x31  }
.Ltmp4:
0x47: {  	s24 =	ssub.s32 s22, s24;
	(pc) =	sbr.rel @!p0 .LBB2_3-.Ltmp4, $4  }
0x48: {  	_ =	swait.ge [sflag:s17], $0x4000;
	s24 =	sand.u32 $0xFF, s24  }
0x49: {  	[sflag:s17] =	ssyncset.done $0x0;
	s24 =	sshll.u32 s24, $0xE  }
0x4a: {  	[sflag:s17] =	ssyncadd.s32 $0xFFFFC000;
	s24 =	sor.u32 $0x1C00, s24  }
0x4b: {  	[hbm4b:s21+s3] =	stream.linear.scatter [tilespmem:s24], [sflag:$0x2], $0x4000, $0x38;
	[tilespmem:$0x19C00] =	vst v63  }
0x4c: {  	p0 =	sgt.u32 s22, $0x32  }
.Ltmp5:
0x4d: {  	_ = 	snop;
	(pc) =	sbr.rel @p0 .LBB2_6-.Ltmp5, $4  }
.Ltmp6:
0x4e: {  	_ = 	snop;
	(pc) =	sbr.rel @!p0 .LBB2_5-.Ltmp6, $4  }
0x4f: {  	_ = 	snop  }
0x50: {  	_ = 	snop  }
0x51: {  	_ = 	snop  }
0x52: {  	_ = 	snop  }
.LBB2_8:
0x53: {  	_ =	sfence.sel $0x180000  }
0x54: {  	[bflag:$0x0] =	sbarrier.arrive $0xFFFF  }
0x55: {  	p0 =	sne.s32 s1, $0x0;
	_ =	strace $0x90000047  }
0x56: {  	s0 =	sadd.s32 @!p0 $0x100000, s0;
	[bflag:$0x2] =	sbarrier.arrive $0xFFFF  }
0x57: {  	[sflag:s0] =	ssyncadd.tile.s32 @!p0 $0x1;
	_ =	shalt  }
.Lfunc_end2:
_tile_overlayer_lowered:
.L_overlay_start_2:
0x58: {  	(tag) =	ssettag $0x2  }
0x59: {  	s0 =	rddreg [dreg:$0x0];
	s2 =	stileid.u32  }
0x5a: {  	s1 =	rddreg [dreg:$0x1];
	p0 =	sne.s32 s2, $0x0  }
0x5b: {  	s3 =	rddreg [dreg:$0x2];
	[bflag:$0x3] =	sbarrier.arrive $0xFFFF;
	s2 =	simm.s32 @!p0 $0x1C03  }
0x5c: {  	[timem:s3], [sflag:s2] =	dma.local @!p0 [hbm:s0], s1  }
0x5d: {  	s0 =	simm.s32 @!p0 $0x3  }
0x5e: {  	_ =	swait.ge @!p0 [sflag:s0], s1  }
0x5f: {  	s1 =	ssub.s32 @!p0 $0x0, s1;
	[sflag:s0] =	ssyncset.done @!p0 $0x0  }
0x60: {  	[sflag:s0] =	ssyncadd.s32 @!p0 s1  }
0x61: {  	[bflag:$0x3] =	sbarrier.arrive $0xFFFF  }
0x62: {  	_ =	shalt  }

</sc_bundles>
